<compile_context>
chip_gen: v7x
topology: tpu7x:2x2x1
jax: 0.10.2.dev20260603
libtpu: 0.0.44.dev20260713+nightly
codegen_flags: <defaults>
</compile_context>

<pallas_src>
import functools

import jax
import jax.numpy as jnp
from jax import lax
from jax.experimental import pallas as pl
from jax.experimental.pallas import tpu as pltpu
from jax.experimental.pallas import tpu_sc as plsc

_EPS = 1e-10
_KEY_SEED = 42


def _rotl(x, r):
    return lax.shift_left(x, jnp.uint32(r)) | lax.shift_right_logical(
        x, jnp.uint32(32 - r))


def _threefry_bits(shape, n_total_cols):
    k0 = jnp.uint32(0)
    k1 = jnp.uint32(_KEY_SEED)
    ks2 = jnp.uint32(0x1BD11BDA) ^ k0 ^ k1
    ks = (k0, k1, ks2)
    lin = (lax.broadcasted_iota(jnp.uint32, shape, 1)
           + lax.broadcasted_iota(jnp.uint32, shape, 0)
           * jnp.uint32(n_total_cols))
    x0 = jnp.full(shape, k0, jnp.uint32)
    x1 = lin + ks[1]
    rot_a = (13, 15, 26, 6)
    rot_b = (17, 29, 16, 24)
    for i in range(5):
        for r in (rot_a if i % 2 == 0 else rot_b):
            x0 = x0 + x1
            x1 = _rotl(x1, r) ^ x0
        x0 = x0 + ks[(i + 1) % 3]
        x1 = x1 + ks[(i + 2) % 3] + jnp.uint32(i + 1)
    return x0 ^ x1


def _uniform_from_bits(bits):
    f = lax.bitcast_convert_type(
        lax.shift_right_logical(bits, jnp.uint32(9)) | jnp.uint32(0x3F800000),
        jnp.float32) - 1.0
    minval = jnp.float32(_EPS)
    maxval = jnp.float32(1.0 - _EPS)
    return jnp.maximum(minval, f * (maxval - minval) + minval)



def _mlp_body(emb_ref, w1_ref, b1_ref, w2_ref, b2_ref, w3_ref, b3_ref,
              out_ref):
    hT = lax.dot_general(w1_ref[...], emb_ref[...], (((1,), (1,)), ((), ())),
                         preferred_element_type=jnp.float32)
    hT = jnp.maximum(hT + b1_ref[...].T, 0.0)
    h2T = lax.dot_general(w2_ref[...], hT, (((1,), (0,)), ((), ())),
                          preferred_element_type=jnp.float32)
    h2T = jnp.maximum(h2T + b2_ref[...].T, 0.0)
    cf = lax.dot_general(w3_ref[...], h2T, (((1,), (0,)), ((), ())),
                         preferred_element_type=jnp.float32) + b3_ref[0, 0]
    n = cf.shape[1]
    u = _uniform_from_bits(_threefry_bits((2, n), n))
    u0 = u[0:1, :]
    u1 = u[1:2, :]
    noise = -jnp.log(jnp.log(u1) / jnp.log(u0) + _EPS)
    logits = cf + noise
    probs = 1.0 / (1.0 + jnp.exp(-logits))
    out_ref[pl.ds(0, n)] = probs[0]
    out_ref[pl.ds(n, out_ref.shape[0] - n)] = jnp.zeros(
        (out_ref.shape[0] - n,), jnp.float32)


def _cluster_probs(emb, W1, b1, W2, b2, W3, b3, n_pad):
    n, d = emb.shape
    return pl.pallas_call(
        _mlp_body,
        out_shape=jax.ShapeDtypeStruct((n_pad,), jnp.float32),
    )(emb, W1, b1.reshape(1, d), W2, b2.reshape(1, d),
      W3, b3.reshape(1, 1))



@functools.cache
def _make_gather(batch: int, table_pad: int):
    info = plsc.get_sparse_core_info()
    nc, ns = info.num_cores, info.num_subcores
    nw = nc * ns
    bpw = batch // nw
    mesh = plsc.VectorSubcoreMesh(core_axis_name="c", subcore_axis_name="s")

    chunk = 128
    nchunks = bpw // chunk

    @functools.partial(
        pl.kernel,
        mesh=mesh,
        out_type=jax.ShapeDtypeStruct((batch,), jnp.float32),
        scratch_types=[
            pltpu.VMEM_SHARED((table_pad,), jnp.float32),
            pltpu.VMEM((bpw,), jnp.int32),
            pltpu.VMEM((bpw,), jnp.float32),
            pltpu.SemaphoreType.DMA,
            pltpu.SemaphoreType.DMA,
        ],
    )
    def gather_k(table_hbm, idx_hbm, out_hbm, table_sh, idx_v, out_v, sem,
                 idx_sem):
        wid = lax.axis_index("s") * nc + lax.axis_index("c")
        base = wid * bpw
        idx_cp = pltpu.async_copy(idx_hbm.at[pl.ds(base, bpw)], idx_v,
                                  idx_sem)

        @pl.when(lax.axis_index("s") == 0)
        def _():
            pltpu.sync_copy(table_hbm, table_sh)

        plsc.subcore_barrier()
        idx_cp.wait()
        descs = []
        for j in range(nchunks):
            sl = pl.ds(j * chunk, chunk)
            descs.append(
                pltpu.async_copy(table_sh.at[idx_v.at[sl]], out_v.at[sl],
                                 sem))
        for d in descs:
            d.wait()
        pltpu.sync_copy(out_v, out_hbm.at[pl.ds(base, bpw)])

    return gather_k



def kernel(feats, cluster_ids, emb, W1, b1, W2, b2, W3, b3):
    n_clusters = emb.shape[0]
    batch = cluster_ids.shape[0]
    table_pad = ((n_clusters + 1023) // 1024) * 1024
    table = _cluster_probs(emb, W1, b1, W2, b2, W3, b3, table_pad)
    out = _make_gather(batch, table_pad)(table, cluster_ids[:, 0])
    return out[:, None]

# --- scband reference (transcript-rebuilt; emitter-appended) ---
"""Pipeline reference for scband-dynamic-cluster-embedding-model-26886495273500 (READ-ONLY COPY).

The authoritative reference and input builder live on the scoring server;
editing this copy changes nothing except your own understanding.
"""

import jax, jax.numpy as jnp
import numpy as np

IN_CH = 128
N_CLUSTERS = 1000
BATCH = 16384

def setup_inputs(seed: int = 0) -> dict:
    key = jax.random.key(seed)
    ks = jax.random.split(key, 10)
    feats = jax.random.normal(ks[0], (BATCH, IN_CH), dtype=jnp.float32)
    cluster_ids = jax.random.randint(ks[1], (BATCH, 1), 0, N_CLUSTERS, dtype=jnp.int64 if jax.config.jax_enable_x64 else jnp.int32).astype(jnp.int32)
    emb = jax.random.normal(ks[2], (N_CLUSTERS, IN_CH), dtype=jnp.float32) * 0.02
    W1 = jax.random.normal(ks[3], (IN_CH, IN_CH), dtype=jnp.float32) * (1.0 / np.sqrt(IN_CH))
    b1 = jnp.zeros((IN_CH,), dtype=jnp.float32)
    W2 = jax.random.normal(ks[4], (IN_CH, IN_CH), dtype=jnp.float32) * (1.0 / np.sqrt(IN_CH))
    b2 = jnp.zeros((IN_CH,), dtype=jnp.float32)
    W3 = jax.random.normal(ks[5], (1, IN_CH), dtype=jnp.float32) * (1.0 / np.sqrt(IN_CH))
    b3 = jnp.zeros((1,), dtype=jnp.float32)
    return {"feats": feats, "cluster_ids": cluster_ids, "emb": emb, "W1": W1, "b1": b1, "W2": W2, "b2": b2, "W3": W3, "b3": b3}

def _gumbel_sigmoid(logits, tau=1.0, eps=1e-10):
    key = jax.random.key(42)
    uniform = jax.random.uniform(key, (2,) + logits.shape, dtype=logits.dtype, minval=eps, maxval=1.0 - eps)
    noise = -jnp.log(jnp.log(uniform[1]) / jnp.log(uniform[0]) + eps)
    return jax.nn.sigmoid((logits + noise) / tau)

def reference(feats, cluster_ids, emb, W1, b1, W2, b2, W3, b3):
    # cluster_mlp: Linear -> ReLU -> Linear -> ReLU -> Linear(->1)
    h = jnp.maximum(emb @ W1.T + b1, 0.0)
    h = jnp.maximum(h @ W2.T + b2, 0.0)
    cluster_feats = h @ W3.T + b3  # [n_clusters, 1]
    cluster_probs = _gumbel_sigmoid(cluster_feats, tau=1.0)
    # per-cluster loop == gather by cluster id
    dynamic_weights = jnp.take(cluster_probs, cluster_ids[:, 0], axis=0)  # [N, 1]
    return dynamic_weights

if __name__ == "__main__":
    import jax
    _d = setup_inputs()
    print(jax.jit(kernel)(*tuple(_d.values())))

</pallas_src>

<mosaic_0001>
#map = affine_map<(d0, d1) -> (0)>
module attributes {stable_mosaic.version = 14 : i64} {
  func.func @gather_k(%arg0: i32, %arg1: i32, %arg2: memref<1024xf32, #tpu.memory_space<hbm>>, %arg3: memref<16384xi32, #tpu.memory_space<hbm>>, %arg4: memref<16384xf32, #tpu.memory_space<hbm>>, %arg5: memref<1024xf32, #tpu.memory_space<vmem_shared>>, %arg6: memref<512xi32, #tpu.memory_space<vmem>>, %arg7: memref<512xf32, #tpu.memory_space<vmem>>, %arg8: memref<!tpu.dma_semaphore, #tpu.memory_space<semaphore_mem>>, %arg9: memref<!tpu.dma_semaphore, #tpu.memory_space<semaphore_mem>>) attributes {dimension_semantics = [#tpu.dimension_semantics<core_parallel>, #tpu.dimension_semantics<subcore_parallel>], iteration_bounds = array<i64: 2, 16>, scalar_prefetch = 0 : i64, scratch_operands = 5 : i64, tpu.core_type = #tpu.core_type<sc_vector_subcore>, window_params = [{transform_indices = #map}, {transform_indices = #map}, {transform_indices = #map}]} {
    %mul3A = arith.constant 2 : i32
    %mul3A_0 = arith.muli %arg1, %mul3A : i32
    %add3A = arith.addi %mul3A_0, %arg0 : i32
    %mul3A_1 = arith.constant 512 : i32
    %mul3A_2 = arith.muli %add3A, %mul3A_1 : i32
    %dma_start3A = tpu.memref_slice %arg3[%mul3A_2] : memref<16384xi32, #tpu.memory_space<hbm>> -> memref<512xi32, #tpu.memory_space<hbm>>
    %dma_start3A_3 = tpu.memref_slice %arg3[%mul3A_2] : memref<16384xi32, #tpu.memory_space<hbm>> -> memref<512xi32, #tpu.memory_space<hbm>>
    tpu.enqueue_dma source(%dma_start3A_3 : memref<512xi32, #tpu.memory_space<hbm>>) target(%arg6 : memref<512xi32, #tpu.memory_space<vmem>>) target_semaphore(%arg9 : memref<!tpu.dma_semaphore, #tpu.memory_space<semaphore_mem>>)
    %eq3A = arith.constant 0 : i32
    %eq3A_4 = arith.cmpi eq, %arg1, %eq3A : i32
    %convert_element_type3A = arith.extui %eq3A_4 : i1 to i32
    %cond3A = arith.constant 0 : i32
    %cond3A_5 = arith.cmpi ne, %convert_element_type3A, %cond3A : i32
    scf.if %cond3A_5 {
      "tpu.region"() ({
        %run_scoped3A = tpu.sem_alloc : memref<!tpu.dma_semaphore, #tpu.memory_space<semaphore_mem>>
        tpu.enqueue_dma source(%arg2 : memref<1024xf32, #tpu.memory_space<hbm>>) target(%arg5 : memref<1024xf32, #tpu.memory_space<vmem_shared>>) target_semaphore(%run_scoped3A : memref<!tpu.dma_semaphore, #tpu.memory_space<semaphore_mem>>)
        tpu.wait_dma2 semaphore(%run_scoped3A : memref<!tpu.dma_semaphore, #tpu.memory_space<semaphore_mem>>) src(%arg2 : memref<1024xf32, #tpu.memory_space<hbm>>) dst(%arg5 : memref<1024xf32, #tpu.memory_space<vmem_shared>>)
        tpu.yield
      }) : () -> ()
    } else {
    }
    %barrier3A = arith.constant 0 : index
    tpu.barrier barrier_id(%barrier3A)
    %dma_wait3A = tpu.memref_slice %arg3[%mul3A_2] : memref<16384xi32, #tpu.memory_space<hbm>> -> memref<512xi32, #tpu.memory_space<hbm>>
    %dma_wait3A_6 = tpu.memref_slice %arg3[%mul3A_2] : memref<16384xi32, #tpu.memory_space<hbm>> -> memref<512xi32, #tpu.memory_space<hbm>>
    tpu.wait_dma2 semaphore(%arg9 : memref<!tpu.dma_semaphore, #tpu.memory_space<semaphore_mem>>) src(%dma_wait3A_6 : memref<512xi32, #tpu.memory_space<hbm>>) dst(%arg6 : memref<512xi32, #tpu.memory_space<vmem>>)
    %dma_start3A_7 = arith.constant 0 : i32
    %dma_start3A_8 = tpu.memref_slice %arg7[%dma_start3A_7] : memref<512xf32, #tpu.memory_space<vmem>> -> memref<128xf32, #tpu.memory_space<vmem>>
    %dma_start3A_9 = arith.constant 0 : i32
    %dma_start3A_10 = tpu.memref_slice %arg6[%dma_start3A_9] : memref<512xi32, #tpu.memory_space<vmem>> -> memref<128xi32, #tpu.memory_space<vmem>>
    %dma_start3A_11 = arith.constant 0 : i32
    %dma_start3A_12 = tpu.memref_slice %arg5[%dma_start3A_11] : memref<1024xf32, #tpu.memory_space<vmem_shared>> -> memref<1024xf32, #tpu.memory_space<vmem_shared>>
    tpu.enqueue_indirect_dma source(%dma_start3A_12 : memref<1024xf32, #tpu.memory_space<vmem_shared>>) target(%dma_start3A_8 : memref<128xf32, #tpu.memory_space<vmem>>) offsets(%dma_start3A_10 : memref<128xi32, #tpu.memory_space<vmem>>) semaphore(%arg8 : memref<!tpu.dma_semaphore, #tpu.memory_space<semaphore_mem>>)
    %dma_start3A_13 = arith.constant 128 : i32
    %dma_start3A_14 = tpu.memref_slice %arg7[%dma_start3A_13] : memref<512xf32, #tpu.memory_space<vmem>> -> memref<128xf32, #tpu.memory_space<vmem>>
    %dma_start3A_15 = arith.constant 128 : i32
    %dma_start3A_16 = tpu.memref_slice %arg6[%dma_start3A_15] : memref<512xi32, #tpu.memory_space<vmem>> -> memref<128xi32, #tpu.memory_space<vmem>>
    %dma_start3A_17 = arith.constant 0 : i32
    %dma_start3A_18 = tpu.memref_slice %arg5[%dma_start3A_17] : memref<1024xf32, #tpu.memory_space<vmem_shared>> -> memref<1024xf32, #tpu.memory_space<vmem_shared>>
    tpu.enqueue_indirect_dma source(%dma_start3A_18 : memref<1024xf32, #tpu.memory_space<vmem_shared>>) target(%dma_start3A_14 : memref<128xf32, #tpu.memory_space<vmem>>) offsets(%dma_start3A_16 : memref<128xi32, #tpu.memory_space<vmem>>) semaphore(%arg8 : memref<!tpu.dma_semaphore, #tpu.memory_space<semaphore_mem>>)
    %dma_start3A_19 = arith.constant 256 : i32
    %dma_start3A_20 = tpu.memref_slice %arg7[%dma_start3A_19] : memref<512xf32, #tpu.memory_space<vmem>> -> memref<128xf32, #tpu.memory_space<vmem>>
    %dma_start3A_21 = arith.constant 256 : i32
    %dma_start3A_22 = tpu.memref_slice %arg6[%dma_start3A_21] : memref<512xi32, #tpu.memory_space<vmem>> -> memref<128xi32, #tpu.memory_space<vmem>>
    %dma_start3A_23 = arith.constant 0 : i32
    %dma_start3A_24 = tpu.memref_slice %arg5[%dma_start3A_23] : memref<1024xf32, #tpu.memory_space<vmem_shared>> -> memref<1024xf32, #tpu.memory_space<vmem_shared>>
    tpu.enqueue_indirect_dma source(%dma_start3A_24 : memref<1024xf32, #tpu.memory_space<vmem_shared>>) target(%dma_start3A_20 : memref<128xf32, #tpu.memory_space<vmem>>) offsets(%dma_start3A_22 : memref<128xi32, #tpu.memory_space<vmem>>) semaphore(%arg8 : memref<!tpu.dma_semaphore, #tpu.memory_space<semaphore_mem>>)
    %dma_start3A_25 = arith.constant 384 : i32
    %dma_start3A_26 = tpu.memref_slice %arg7[%dma_start3A_25] : memref<512xf32, #tpu.memory_space<vmem>> -> memref<128xf32, #tpu.memory_space<vmem>>
    %dma_start3A_27 = arith.constant 384 : i32
    %dma_start3A_28 = tpu.memref_slice %arg6[%dma_start3A_27] : memref<512xi32, #tpu.memory_space<vmem>> -> memref<128xi32, #tpu.memory_space<vmem>>
    %dma_start3A_29 = arith.constant 0 : i32
    %dma_start3A_30 = tpu.memref_slice %arg5[%dma_start3A_29] : memref<1024xf32, #tpu.memory_space<vmem_shared>> -> memref<1024xf32, #tpu.memory_space<vmem_shared>>
    tpu.enqueue_indirect_dma source(%dma_start3A_30 : memref<1024xf32, #tpu.memory_space<vmem_shared>>) target(%dma_start3A_26 : memref<128xf32, #tpu.memory_space<vmem>>) offsets(%dma_start3A_28 : memref<128xi32, #tpu.memory_space<vmem>>) semaphore(%arg8 : memref<!tpu.dma_semaphore, #tpu.memory_space<semaphore_mem>>)
    %dma_wait3A_31 = arith.constant 0 : i32
    %dma_wait3A_32 = tpu.memref_slice %arg7[%dma_wait3A_31] : memref<512xf32, #tpu.memory_space<vmem>> -> memref<128xf32, #tpu.memory_space<vmem>>
    %dma_wait3A_33 = arith.constant 0 : i32
    %dma_wait3A_34 = tpu.memref_slice %arg6[%dma_wait3A_33] : memref<512xi32, #tpu.memory_space<vmem>> -> memref<128xi32, #tpu.memory_space<vmem>>
    %dma_wait3A_35 = arith.constant 0 : i32
    %dma_wait3A_36 = tpu.memref_slice %arg5[%dma_wait3A_35] : memref<1024xf32, #tpu.memory_space<vmem_shared>> -> memref<1024xf32, #tpu.memory_space<vmem_shared>>
    tpu.wait_indirect_dma semaphore(%arg8 : memref<!tpu.dma_semaphore, #tpu.memory_space<semaphore_mem>>) src(%dma_wait3A_36 : memref<1024xf32, #tpu.memory_space<vmem_shared>>) dst(%dma_wait3A_32 : memref<128xf32, #tpu.memory_space<vmem>>)
    %dma_wait3A_37 = arith.constant 128 : i32
    %dma_wait3A_38 = tpu.memref_slice %arg7[%dma_wait3A_37] : memref<512xf32, #tpu.memory_space<vmem>> -> memref<128xf32, #tpu.memory_space<vmem>>
    %dma_wait3A_39 = arith.constant 128 : i32
    %dma_wait3A_40 = tpu.memref_slice %arg6[%dma_wait3A_39] : memref<512xi32, #tpu.memory_space<vmem>> -> memref<128xi32, #tpu.memory_space<vmem>>
    %dma_wait3A_41 = arith.constant 0 : i32
    %dma_wait3A_42 = tpu.memref_slice %arg5[%dma_wait3A_41] : memref<1024xf32, #tpu.memory_space<vmem_shared>> -> memref<1024xf32, #tpu.memory_space<vmem_shared>>
    tpu.wait_indirect_dma semaphore(%arg8 : memref<!tpu.dma_semaphore, #tpu.memory_space<semaphore_mem>>) src(%dma_wait3A_42 : memref<1024xf32, #tpu.memory_space<vmem_shared>>) dst(%dma_wait3A_38 : memref<128xf32, #tpu.memory_space<vmem>>)
    %dma_wait3A_43 = arith.constant 256 : i32
    %dma_wait3A_44 = tpu.memref_slice %arg7[%dma_wait3A_43] : memref<512xf32, #tpu.memory_space<vmem>> -> memref<128xf32, #tpu.memory_space<vmem>>
    %dma_wait3A_45 = arith.constant 256 : i32
    %dma_wait3A_46 = tpu.memref_slice %arg6[%dma_wait3A_45] : memref<512xi32, #tpu.memory_space<vmem>> -> memref<128xi32, #tpu.memory_space<vmem>>
    %dma_wait3A_47 = arith.constant 0 : i32
    %dma_wait3A_48 = tpu.memref_slice %arg5[%dma_wait3A_47] : memref<1024xf32, #tpu.memory_space<vmem_shared>> -> memref<1024xf32, #tpu.memory_space<vmem_shared>>
    tpu.wait_indirect_dma semaphore(%arg8 : memref<!tpu.dma_semaphore, #tpu.memory_space<semaphore_mem>>) src(%dma_wait3A_48 : memref<1024xf32, #tpu.memory_space<vmem_shared>>) dst(%dma_wait3A_44 : memref<128xf32, #tpu.memory_space<vmem>>)
    %dma_wait3A_49 = arith.constant 384 : i32
    %dma_wait3A_50 = tpu.memref_slice %arg7[%dma_wait3A_49] : memref<512xf32, #tpu.memory_space<vmem>> -> memref<128xf32, #tpu.memory_space<vmem>>
    %dma_wait3A_51 = arith.constant 384 : i32
    %dma_wait3A_52 = tpu.memref_slice %arg6[%dma_wait3A_51] : memref<512xi32, #tpu.memory_space<vmem>> -> memref<128xi32, #tpu.memory_space<vmem>>
    %dma_wait3A_53 = arith.constant 0 : i32
    %dma_wait3A_54 = tpu.memref_slice %arg5[%dma_wait3A_53] : memref<1024xf32, #tpu.memory_space<vmem_shared>> -> memref<1024xf32, #tpu.memory_space<vmem_shared>>
    tpu.wait_indirect_dma semaphore(%arg8 : memref<!tpu.dma_semaphore, #tpu.memory_space<semaphore_mem>>) src(%dma_wait3A_54 : memref<1024xf32, #tpu.memory_space<vmem_shared>>) dst(%dma_wait3A_50 : memref<128xf32, #tpu.memory_space<vmem>>)
    "tpu.region"() ({
      %run_scoped3A = tpu.sem_alloc : memref<!tpu.dma_semaphore, #tpu.memory_space<semaphore_mem>>
      %dma_start3A_55 = tpu.memref_slice %arg4[%mul3A_2] : memref<16384xf32, #tpu.memory_space<hbm>> -> memref<512xf32, #tpu.memory_space<hbm>>
      %dma_start3A_56 = tpu.memref_slice %arg4[%mul3A_2] : memref<16384xf32, #tpu.memory_space<hbm>> -> memref<512xf32, #tpu.memory_space<hbm>>
      tpu.enqueue_dma source(%arg7 : memref<512xf32, #tpu.memory_space<vmem>>) target(%dma_start3A_56 : memref<512xf32, #tpu.memory_space<hbm>>) target_semaphore(%run_scoped3A : memref<!tpu.dma_semaphore, #tpu.memory_space<semaphore_mem>>)
      %dma_wait3A_57 = tpu.memref_slice %arg4[%mul3A_2] : memref<16384xf32, #tpu.memory_space<hbm>> -> memref<512xf32, #tpu.memory_space<hbm>>
      %dma_wait3A_58 = tpu.memref_slice %arg4[%mul3A_2] : memref<16384xf32, #tpu.memory_space<hbm>> -> memref<512xf32, #tpu.memory_space<hbm>>
      tpu.wait_dma2 semaphore(%run_scoped3A : memref<!tpu.dma_semaphore, #tpu.memory_space<semaphore_mem>>) src(%arg7 : memref<512xf32, #tpu.memory_space<vmem>>) dst(%dma_wait3A_58 : memref<512xf32, #tpu.memory_space<hbm>>)
      tpu.yield
    }) : () -> ()
    return
  }
}

module attributes {stable_mosaic.version = 14 : i64} {
  func.func @_mlp_body(%arg0: memref<1000x128xf32, #tpu.memory_space<vmem>>, %arg1: memref<128x128xf32, #tpu.memory_space<vmem>>, %arg2: memref<1x128xf32, #tpu.memory_space<vmem>>, %arg3: memref<128x128xf32, #tpu.memory_space<vmem>>, %arg4: memref<1x128xf32, #tpu.memory_space<vmem>>, %arg5: memref<1x128xf32, #tpu.memory_space<vmem>>, %arg6: memref<1x1xf32, #tpu.memory_space<vmem>>, %arg7: memref<1024xf32, #tpu.memory_space<vmem>>) attributes {dimension_semantics = [], scalar_prefetch = 0 : i64, scratch_operands = 0 : i64, tpu.core_type = #tpu.core_type<tc>} {
    %get3A = arith.constant 0 : index
    %get3A_0 = arith.constant 0 : index
    %get3A_1 = vector.load %arg1[%get3A, %get3A_0] : memref<128x128xf32, #tpu.memory_space<vmem>>, vector<128x128xf32>
    %get3A_2 = arith.constant 0 : index
    %get3A_3 = arith.constant 0 : index
    %get3A_4 = vector.load %arg0[%get3A_2, %get3A_3] : memref<1000x128xf32, #tpu.memory_space<vmem>>, vector<1000x128xf32>
    %dot_general3A = arith.constant dense<0.000000e+00> : vector<128x1000xf32>
    %dot_general3A_5 = tpu.matmul %get3A_1, %get3A_4, %dot_general3A {dimension_numbers = #tpu.dot_dimension_numbers<[1], [1], [0], [0], [0, 0, 1, 0], [], []>, transpose_lhs_hint = false} : vector<128x128xf32>, vector<1000x128xf32>, vector<128x1000xf32> -> vector<128x1000xf32>
    %get3A_6 = arith.constant 0 : index
    %get3A_7 = arith.constant 0 : index
    %get3A_8 = vector.load %arg2[%get3A_6, %get3A_7] : memref<1x128xf32, #tpu.memory_space<vmem>>, vector<1x128xf32>
    %transpose3A = tpu.transpose %get3A_8, [1, 0] : vector<1x128xf32> -> vector<128x1xf32>
    %add3A = vector.broadcast %transpose3A : vector<128x1xf32> to vector<128x1000xf32>
    %add3A_9 = arith.addf %dot_general3A_5, %add3A : vector<128x1000xf32>
    %max3A = arith.constant 0.000000e+00 : f32
    %max3A_10 = vector.broadcast %max3A : f32 to vector<128x1000xf32>
    %max3A_11 = arith.maximumf %add3A_9, %max3A_10 : vector<128x1000xf32>
    %get3A_12 = arith.constant 0 : index
    %get3A_13 = arith.constant 0 : index
    %get3A_14 = vector.load %arg3[%get3A_12, %get3A_13] : memref<128x128xf32, #tpu.memory_space<vmem>>, vector<128x128xf32>
    %dot_general3A_15 = arith.constant dense<0.000000e+00> : vector<128x1000xf32>
    %dot_general3A_16 = tpu.matmul %get3A_14, %max3A_11, %dot_general3A_15 {dimension_numbers = #tpu.dot_dimension_numbers<[1], [0], [0], [1], [0, 0, 1, 1], [], []>, transpose_lhs_hint = false} : vector<128x128xf32>, vector<128x1000xf32>, vector<128x1000xf32> -> vector<128x1000xf32>
    %get3A_17 = arith.constant 0 : index
    %get3A_18 = arith.constant 0 : index
    %get3A_19 = vector.load %arg4[%get3A_17, %get3A_18] : memref<1x128xf32, #tpu.memory_space<vmem>>, vector<1x128xf32>
    %transpose3A_20 = tpu.transpose %get3A_19, [1, 0] : vector<1x128xf32> -> vector<128x1xf32>
    %add3A_21 = vector.broadcast %transpose3A_20 : vector<128x1xf32> to vector<128x1000xf32>
    %add3A_22 = arith.addf %dot_general3A_16, %add3A_21 : vector<128x1000xf32>
    %max3A_23 = arith.constant 0.000000e+00 : f32
    %max3A_24 = vector.broadcast %max3A_23 : f32 to vector<128x1000xf32>
    %max3A_25 = arith.maximumf %add3A_22, %max3A_24 : vector<128x1000xf32>
    %get3A_26 = arith.constant 0 : index
    %get3A_27 = arith.constant 0 : index
    %get3A_28 = vector.load %arg5[%get3A_26, %get3A_27] : memref<1x128xf32, #tpu.memory_space<vmem>>, vector<1x128xf32>
    %dot_general3A_29 = arith.constant dense<0.000000e+00> : vector<1x1000xf32>
    %dot_general3A_30 = tpu.matmul %get3A_28, %max3A_25, %dot_general3A_29 {dimension_numbers = #tpu.dot_dimension_numbers<[1], [0], [0], [1], [0, 0, 1, 1], [], []>, transpose_lhs_hint = false} : vector<1x128xf32>, vector<128x1000xf32>, vector<1x1000xf32> -> vector<1x1000xf32>
    %get3A_31 = arith.constant 0 : index
    %get3A_32 = arith.constant 0 : index
    %get3A_33 = vector.load %arg6[%get3A_31, %get3A_32] : memref<1x1xf32, #tpu.memory_space<vmem>>, vector<1x1xf32>
    %get3A_34 = vector.extract %get3A_33[0, 0] : f32 from vector<1x1xf32>
    %add3A_35 = vector.broadcast %get3A_34 : f32 to vector<1x1000xf32>
    %add3A_36 = arith.addf %dot_general3A_30, %add3A_35 : vector<1x1000xf32>
    %xor3A = arith.constant 466688986 : i32
    %xor3A_37 = arith.constant 0 : i32
    %xor3A_38 = arith.xori %xor3A, %xor3A_37 : i32
    %xor3A_39 = arith.constant 42 : i32
    %xor3A_40 = arith.xori %xor3A_38, %xor3A_39 : i32
    %iota3A = tpu.iota {dimensions = array<i32: 1>} : vector<2x1000xi32>
    %iota3A_41 = tpu.iota {dimensions = array<i32: 0>} : vector<2x1000xi32>
    %mul3A = arith.constant 1000 : i32
    %mul3A_42 = vector.broadcast %mul3A : i32 to vector<2x1000xi32>
    %mul3A_43 = arith.muli %iota3A_41, %mul3A_42 : vector<2x1000xi32>
    %add3A_44 = arith.addi %iota3A, %mul3A_43 : vector<2x1000xi32>
    %broadcast_in_dim3A = arith.constant 0 : i32
    %broadcast_in_dim3A_45 = vector.broadcast %broadcast_in_dim3A : i32 to vector<2x1000xi32>
    %add3A_46 = arith.constant 42 : i32
    %add3A_47 = vector.broadcast %add3A_46 : i32 to vector<2x1000xi32>
    %add3A_48 = arith.addi %add3A_44, %add3A_47 : vector<2x1000xi32>
    %add3A_49 = arith.addi %broadcast_in_dim3A_45, %add3A_48 : vector<2x1000xi32>
    %shift_left3A = arith.constant 13 : i32
    %shift_left3A_50 = vector.broadcast %shift_left3A : i32 to vector<2x1000xi32>
    %shift_left3A_51 = arith.shli %add3A_48, %shift_left3A_50 : vector<2x1000xi32>
    %shift_right_logical3A = arith.constant 19 : i32
    %shift_right_logical3A_52 = vector.broadcast %shift_right_logical3A : i32 to vector<2x1000xi32>
    %shift_right_logical3A_53 = arith.shrui %add3A_48, %shift_right_logical3A_52 : vector<2x1000xi32>
    %or3A = arith.ori %shift_left3A_51, %shift_right_logical3A_53 : vector<2x1000xi32>
    %xor3A_54 = arith.xori %or3A, %add3A_49 : vector<2x1000xi32>
    %add3A_55 = arith.addi %add3A_49, %xor3A_54 : vector<2x1000xi32>
    %shift_left3A_56 = arith.constant 15 : i32
    %shift_left3A_57 = vector.broadcast %shift_left3A_56 : i32 to vector<2x1000xi32>
    %shift_left3A_58 = arith.shli %xor3A_54, %shift_left3A_57 : vector<2x1000xi32>
    %shift_right_logical3A_59 = arith.constant 17 : i32
    %shift_right_logical3A_60 = vector.broadcast %shift_right_logical3A_59 : i32 to vector<2x1000xi32>
    %shift_right_logical3A_61 = arith.shrui %xor3A_54, %shift_right_logical3A_60 : vector<2x1000xi32>
    %or3A_62 = arith.ori %shift_left3A_58, %shift_right_logical3A_61 : vector<2x1000xi32>
    %xor3A_63 = arith.xori %or3A_62, %add3A_55 : vector<2x1000xi32>
    %add3A_64 = arith.addi %add3A_55, %xor3A_63 : vector<2x1000xi32>
    %shift_left3A_65 = arith.constant 26 : i32
    %shift_left3A_66 = vector.broadcast %shift_left3A_65 : i32 to vector<2x1000xi32>
    %shift_left3A_67 = arith.shli %xor3A_63, %shift_left3A_66 : vector<2x1000xi32>
    %shift_right_logical3A_68 = arith.constant 6 : i32
    %shift_right_logical3A_69 = vector.broadcast %shift_right_logical3A_68 : i32 to vector<2x1000xi32>
    %shift_right_logical3A_70 = arith.shrui %xor3A_63, %shift_right_logical3A_69 : vector<2x1000xi32>
    %or3A_71 = arith.ori %shift_left3A_67, %shift_right_logical3A_70 : vector<2x1000xi32>
    %xor3A_72 = arith.xori %or3A_71, %add3A_64 : vector<2x1000xi32>
    %add3A_73 = arith.addi %add3A_64, %xor3A_72 : vector<2x1000xi32>
    %shift_left3A_74 = arith.constant 6 : i32
    %shift_left3A_75 = vector.broadcast %shift_left3A_74 : i32 to vector<2x1000xi32>
    %shift_left3A_76 = arith.shli %xor3A_72, %shift_left3A_75 : vector<2x1000xi32>
    %shift_right_logical3A_77 = arith.constant 26 : i32
    %shift_right_logical3A_78 = vector.broadcast %shift_right_logical3A_77 : i32 to vector<2x1000xi32>
    %shift_right_logical3A_79 = arith.shrui %xor3A_72, %shift_right_logical3A_78 : vector<2x1000xi32>
    %or3A_80 = arith.ori %shift_left3A_76, %shift_right_logical3A_79 : vector<2x1000xi32>
    %xor3A_81 = arith.xori %or3A_80, %add3A_73 : vector<2x1000xi32>
    %add3A_82 = arith.constant 42 : i32
    %add3A_83 = vector.broadcast %add3A_82 : i32 to vector<2x1000xi32>
    %add3A_84 = arith.addi %add3A_73, %add3A_83 : vector<2x1000xi32>
    %add3A_85 = vector.broadcast %xor3A_40 : i32 to vector<2x1000xi32>
    %add3A_86 = arith.addi %xor3A_81, %add3A_85 : vector<2x1000xi32>
    %add3A_87 = arith.constant 1 : i32
    %add3A_88 = vector.broadcast %add3A_87 : i32 to vector<2x1000xi32>
    %add3A_89 = arith.addi %add3A_86, %add3A_88 : vector<2x1000xi32>
    %add3A_90 = arith.addi %add3A_84, %add3A_89 : vector<2x1000xi32>
    %shift_left3A_91 = arith.constant 17 : i32
    %shift_left3A_92 = vector.broadcast %shift_left3A_91 : i32 to vector<2x1000xi32>
    %shift_left3A_93 = arith.shli %add3A_89, %shift_left3A_92 : vector<2x1000xi32>
    %shift_right_logical3A_94 = arith.constant 15 : i32
    %shift_right_logical3A_95 = vector.broadcast %shift_right_logical3A_94 : i32 to vector<2x1000xi32>
    %shift_right_logical3A_96 = arith.shrui %add3A_89, %shift_right_logical3A_95 : vector<2x1000xi32>
    %or3A_97 = arith.ori %shift_left3A_93, %shift_right_logical3A_96 : vector<2x1000xi32>
    %xor3A_98 = arith.xori %or3A_97, %add3A_90 : vector<2x1000xi32>
    %add3A_99 = arith.addi %add3A_90, %xor3A_98 : vector<2x1000xi32>
    %shift_left3A_100 = arith.constant 29 : i32
    %shift_left3A_101 = vector.broadcast %shift_left3A_100 : i32 to vector<2x1000xi32>
    %shift_left3A_102 = arith.shli %xor3A_98, %shift_left3A_101 : vector<2x1000xi32>
    %shift_right_logical3A_103 = arith.constant 3 : i32
    %shift_right_logical3A_104 = vector.broadcast %shift_right_logical3A_103 : i32 to vector<2x1000xi32>
    %shift_right_logical3A_105 = arith.shrui %xor3A_98, %shift_right_logical3A_104 : vector<2x1000xi32>
    %or3A_106 = arith.ori %shift_left3A_102, %shift_right_logical3A_105 : vector<2x1000xi32>
    %xor3A_107 = arith.xori %or3A_106, %add3A_99 : vector<2x1000xi32>
    %add3A_108 = arith.addi %add3A_99, %xor3A_107 : vector<2x1000xi32>
    %shift_left3A_109 = arith.constant 16 : i32
    %shift_left3A_110 = vector.broadcast %shift_left3A_109 : i32 to vector<2x1000xi32>
    %shift_left3A_111 = arith.shli %xor3A_107, %shift_left3A_110 : vector<2x1000xi32>
    %shift_right_logical3A_112 = arith.constant 16 : i32
    %shift_right_logical3A_113 = vector.broadcast %shift_right_logical3A_112 : i32 to vector<2x1000xi32>
    %shift_right_logical3A_114 = arith.shrui %xor3A_107, %shift_right_logical3A_113 : vector<2x1000xi32>
    %or3A_115 = arith.ori %shift_left3A_111, %shift_right_logical3A_114 : vector<2x1000xi32>
    %xor3A_116 = arith.xori %or3A_115, %add3A_108 : vector<2x1000xi32>
    %add3A_117 = arith.addi %add3A_108, %xor3A_116 : vector<2x1000xi32>
    %shift_left3A_118 = arith.constant 24 : i32
    %shift_left3A_119 = vector.broadcast %shift_left3A_118 : i32 to vector<2x1000xi32>
    %shift_left3A_120 = arith.shli %xor3A_116, %shift_left3A_119 : vector<2x1000xi32>
    %shift_right_logical3A_121 = arith.constant 8 : i32
    %shift_right_logical3A_122 = vector.broadcast %shift_right_logical3A_121 : i32 to vector<2x1000xi32>
    %shift_right_logical3A_123 = arith.shrui %xor3A_116, %shift_right_logical3A_122 : vector<2x1000xi32>
    %or3A_124 = arith.ori %shift_left3A_120, %shift_right_logical3A_123 : vector<2x1000xi32>
    %xor3A_125 = arith.xori %or3A_124, %add3A_117 : vector<2x1000xi32>
    %add3A_126 = vector.broadcast %xor3A_40 : i32 to vector<2x1000xi32>
    %add3A_127 = arith.addi %add3A_117, %add3A_126 : vector<2x1000xi32>
    %add3A_128 = arith.constant 0 : i32
    %add3A_129 = vector.broadcast %add3A_128 : i32 to vector<2x1000xi32>
    %add3A_130 = arith.addi %xor3A_125, %add3A_129 : vector<2x1000xi32>
    %add3A_131 = arith.constant 2 : i32
    %add3A_132 = vector.broadcast %add3A_131 : i32 to vector<2x1000xi32>
    %add3A_133 = arith.addi %add3A_130, %add3A_132 : vector<2x1000xi32>
    %add3A_134 = arith.addi %add3A_127, %add3A_133 : vector<2x1000xi32>
    %shift_left3A_135 = arith.constant 13 : i32
    %shift_left3A_136 = vector.broadcast %shift_left3A_135 : i32 to vector<2x1000xi32>
    %shift_left3A_137 = arith.shli %add3A_133, %shift_left3A_136 : vector<2x1000xi32>
    %shift_right_logical3A_138 = arith.constant 19 : i32
    %shift_right_logical3A_139 = vector.broadcast %shift_right_logical3A_138 : i32 to vector<2x1000xi32>
    %shift_right_logical3A_140 = arith.shrui %add3A_133, %shift_right_logical3A_139 : vector<2x1000xi32>
    %or3A_141 = arith.ori %shift_left3A_137, %shift_right_logical3A_140 : vector<2x1000xi32>
    %xor3A_142 = arith.xori %or3A_141, %add3A_134 : vector<2x1000xi32>
    %add3A_143 = arith.addi %add3A_134, %xor3A_142 : vector<2x1000xi32>
    %shift_left3A_144 = arith.constant 15 : i32
    %shift_left3A_145 = vector.broadcast %shift_left3A_144 : i32 to vector<2x1000xi32>
    %shift_left3A_146 = arith.shli %xor3A_142, %shift_left3A_145 : vector<2x1000xi32>
    %shift_right_logical3A_147 = arith.constant 17 : i32
    %shift_right_logical3A_148 = vector.broadcast %shift_right_logical3A_147 : i32 to vector<2x1000xi32>
    %shift_right_logical3A_149 = arith.shrui %xor3A_142, %shift_right_logical3A_148 : vector<2x1000xi32>
    %or3A_150 = arith.ori %shift_left3A_146, %shift_right_logical3A_149 : vector<2x1000xi32>
    %xor3A_151 = arith.xori %or3A_150, %add3A_143 : vector<2x1000xi32>
    %add3A_152 = arith.addi %add3A_143, %xor3A_151 : vector<2x1000xi32>
    %shift_left3A_153 = arith.constant 26 : i32
    %shift_left3A_154 = vector.broadcast %shift_left3A_153 : i32 to vector<2x1000xi32>
    %shift_left3A_155 = arith.shli %xor3A_151, %shift_left3A_154 : vector<2x1000xi32>
    %shift_right_logical3A_156 = arith.constant 6 : i32
    %shift_right_logical3A_157 = vector.broadcast %shift_right_logical3A_156 : i32 to vector<2x1000xi32>
    %shift_right_logical3A_158 = arith.shrui %xor3A_151, %shift_right_logical3A_157 : vector<2x1000xi32>
    %or3A_159 = arith.ori %shift_left3A_155, %shift_right_logical3A_158 : vector<2x1000xi32>
    %xor3A_160 = arith.xori %or3A_159, %add3A_152 : vector<2x1000xi32>
    %add3A_161 = arith.addi %add3A_152, %xor3A_160 : vector<2x1000xi32>
    %shift_left3A_162 = arith.constant 6 : i32
    %shift_left3A_163 = vector.broadcast %shift_left3A_162 : i32 to vector<2x1000xi32>
    %shift_left3A_164 = arith.shli %xor3A_160, %shift_left3A_163 : vector<2x1000xi32>
    %shift_right_logical3A_165 = arith.constant 26 : i32
    %shift_right_logical3A_166 = vector.broadcast %shift_right_logical3A_165 : i32 to vector<2x1000xi32>
    %shift_right_logical3A_167 = arith.shrui %xor3A_160, %shift_right_logical3A_166 : vector<2x1000xi32>
    %or3A_168 = arith.ori %shift_left3A_164, %shift_right_logical3A_167 : vector<2x1000xi32>
    %xor3A_169 = arith.xori %or3A_168, %add3A_161 : vector<2x1000xi32>
    %add3A_170 = arith.constant 0 : i32
    %add3A_171 = vector.broadcast %add3A_170 : i32 to vector<2x1000xi32>
    %add3A_172 = arith.addi %add3A_161, %add3A_171 : vector<2x1000xi32>
    %add3A_173 = arith.constant 42 : i32
    %add3A_174 = vector.broadcast %add3A_173 : i32 to vector<2x1000xi32>
    %add3A_175 = arith.addi %xor3A_169, %add3A_174 : vector<2x1000xi32>
    %add3A_176 = arith.constant 3 : i32
    %add3A_177 = vector.broadcast %add3A_176 : i32 to vector<2x1000xi32>
    %add3A_178 = arith.addi %add3A_175, %add3A_177 : vector<2x1000xi32>
    %add3A_179 = arith.addi %add3A_172, %add3A_178 : vector<2x1000xi32>
    %shift_left3A_180 = arith.constant 17 : i32
    %shift_left3A_181 = vector.broadcast %shift_left3A_180 : i32 to vector<2x1000xi32>
    %shift_left3A_182 = arith.shli %add3A_178, %shift_left3A_181 : vector<2x1000xi32>
    %shift_right_logical3A_183 = arith.constant 15 : i32
    %shift_right_logical3A_184 = vector.broadcast %shift_right_logical3A_183 : i32 to vector<2x1000xi32>
    %shift_right_logical3A_185 = arith.shrui %add3A_178, %shift_right_logical3A_184 : vector<2x1000xi32>
    %or3A_186 = arith.ori %shift_left3A_182, %shift_right_logical3A_185 : vector<2x1000xi32>
    %xor3A_187 = arith.xori %or3A_186, %add3A_179 : vector<2x1000xi32>
    %add3A_188 = arith.addi %add3A_179, %xor3A_187 : vector<2x1000xi32>
    %shift_left3A_189 = arith.constant 29 : i32
    %shift_left3A_190 = vector.broadcast %shift_left3A_189 : i32 to vector<2x1000xi32>
    %shift_left3A_191 = arith.shli %xor3A_187, %shift_left3A_190 : vector<2x1000xi32>
    %shift_right_logical3A_192 = arith.constant 3 : i32
    %shift_right_logical3A_193 = vector.broadcast %shift_right_logical3A_192 : i32 to vector<2x1000xi32>
    %shift_right_logical3A_194 = arith.shrui %xor3A_187, %shift_right_logical3A_193 : vector<2x1000xi32>
    %or3A_195 = arith.ori %shift_left3A_191, %shift_right_logical3A_194 : vector<2x1000xi32>
    %xor3A_196 = arith.xori %or3A_195, %add3A_188 : vector<2x1000xi32>
    %add3A_197 = arith.addi %add3A_188, %xor3A_196 : vector<2x1000xi32>
    %shift_left3A_198 = arith.constant 16 : i32
    %shift_left3A_199 = vector.broadcast %shift_left3A_198 : i32 to vector<2x1000xi32>
    %shift_left3A_200 = arith.shli %xor3A_196, %shift_left3A_199 : vector<2x1000xi32>
    %shift_right_logical3A_201 = arith.constant 16 : i32
    %shift_right_logical3A_202 = vector.broadcast %shift_right_logical3A_201 : i32 to vector<2x1000xi32>
    %shift_right_logical3A_203 = arith.shrui %xor3A_196, %shift_right_logical3A_202 : vector<2x1000xi32>
    %or3A_204 = arith.ori %shift_left3A_200, %shift_right_logical3A_203 : vector<2x1000xi32>
    %xor3A_205 = arith.xori %or3A_204, %add3A_197 : vector<2x1000xi32>
    %add3A_206 = arith.addi %add3A_197, %xor3A_205 : vector<2x1000xi32>
    %shift_left3A_207 = arith.constant 24 : i32
    %shift_left3A_208 = vector.broadcast %shift_left3A_207 : i32 to vector<2x1000xi32>
    %shift_left3A_209 = arith.shli %xor3A_205, %shift_left3A_208 : vector<2x1000xi32>
    %shift_right_logical3A_210 = arith.constant 8 : i32
    %shift_right_logical3A_211 = vector.broadcast %shift_right_logical3A_210 : i32 to vector<2x1000xi32>
    %shift_right_logical3A_212 = arith.shrui %xor3A_205, %shift_right_logical3A_211 : vector<2x1000xi32>
    %or3A_213 = arith.ori %shift_left3A_209, %shift_right_logical3A_212 : vector<2x1000xi32>
    %xor3A_214 = arith.xori %or3A_213, %add3A_206 : vector<2x1000xi32>
    %add3A_215 = arith.constant 42 : i32
    %add3A_216 = vector.broadcast %add3A_215 : i32 to vector<2x1000xi32>
    %add3A_217 = arith.addi %add3A_206, %add3A_216 : vector<2x1000xi32>
    %add3A_218 = vector.broadcast %xor3A_40 : i32 to vector<2x1000xi32>
    %add3A_219 = arith.addi %xor3A_214, %add3A_218 : vector<2x1000xi32>
    %add3A_220 = arith.constant 4 : i32
    %add3A_221 = vector.broadcast %add3A_220 : i32 to vector<2x1000xi32>
    %add3A_222 = arith.addi %add3A_219, %add3A_221 : vector<2x1000xi32>
    %add3A_223 = arith.addi %add3A_217, %add3A_222 : vector<2x1000xi32>
    %shift_left3A_224 = arith.constant 13 : i32
    %shift_left3A_225 = vector.broadcast %shift_left3A_224 : i32 to vector<2x1000xi32>
    %shift_left3A_226 = arith.shli %add3A_222, %shift_left3A_225 : vector<2x1000xi32>
    %shift_right_logical3A_227 = arith.constant 19 : i32
    %shift_right_logical3A_228 = vector.broadcast %shift_right_logical3A_227 : i32 to vector<2x1000xi32>
    %shift_right_logical3A_229 = arith.shrui %add3A_222, %shift_right_logical3A_228 : vector<2x1000xi32>
    %or3A_230 = arith.ori %shift_left3A_226, %shift_right_logical3A_229 : vector<2x1000xi32>
    %xor3A_231 = arith.xori %or3A_230, %add3A_223 : vector<2x1000xi32>
    %add3A_232 = arith.addi %add3A_223, %xor3A_231 : vector<2x1000xi32>
    %shift_left3A_233 = arith.constant 15 : i32
    %shift_left3A_234 = vector.broadcast %shift_left3A_233 : i32 to vector<2x1000xi32>
    %shift_left3A_235 = arith.shli %xor3A_231, %shift_left3A_234 : vector<2x1000xi32>
    %shift_right_logical3A_236 = arith.constant 17 : i32
    %shift_right_logical3A_237 = vector.broadcast %shift_right_logical3A_236 : i32 to vector<2x1000xi32>
    %shift_right_logical3A_238 = arith.shrui %xor3A_231, %shift_right_logical3A_237 : vector<2x1000xi32>
    %or3A_239 = arith.ori %shift_left3A_235, %shift_right_logical3A_238 : vector<2x1000xi32>
    %xor3A_240 = arith.xori %or3A_239, %add3A_232 : vector<2x1000xi32>
    %add3A_241 = arith.addi %add3A_232, %xor3A_240 : vector<2x1000xi32>
    %shift_left3A_242 = arith.constant 26 : i32
    %shift_left3A_243 = vector.broadcast %shift_left3A_242 : i32 to vector<2x1000xi32>
    %shift_left3A_244 = arith.shli %xor3A_240, %shift_left3A_243 : vector<2x1000xi32>
    %shift_right_logical3A_245 = arith.constant 6 : i32
    %shift_right_logical3A_246 = vector.broadcast %shift_right_logical3A_245 : i32 to vector<2x1000xi32>
    %shift_right_logical3A_247 = arith.shrui %xor3A_240, %shift_right_logical3A_246 : vector<2x1000xi32>
    %or3A_248 = arith.ori %shift_left3A_244, %shift_right_logical3A_247 : vector<2x1000xi32>
    %xor3A_249 = arith.xori %or3A_248, %add3A_241 : vector<2x1000xi32>
    %add3A_250 = arith.addi %add3A_241, %xor3A_249 : vector<2x1000xi32>
    %shift_left3A_251 = arith.constant 6 : i32
    %shift_left3A_252 = vector.broadcast %shift_left3A_251 : i32 to vector<2x1000xi32>
    %shift_left3A_253 = arith.shli %xor3A_249, %shift_left3A_252 : vector<2x1000xi32>
    %shift_right_logical3A_254 = arith.constant 26 : i32
    %shift_right_logical3A_255 = vector.broadcast %shift_right_logical3A_254 : i32 to vector<2x1000xi32>
    %shift_right_logical3A_256 = arith.shrui %xor3A_249, %shift_right_logical3A_255 : vector<2x1000xi32>
    %or3A_257 = arith.ori %shift_left3A_253, %shift_right_logical3A_256 : vector<2x1000xi32>
    %xor3A_258 = arith.xori %or3A_257, %add3A_250 : vector<2x1000xi32>
    %add3A_259 = vector.broadcast %xor3A_40 : i32 to vector<2x1000xi32>
    %add3A_260 = arith.addi %add3A_250, %add3A_259 : vector<2x1000xi32>
    %add3A_261 = arith.constant 0 : i32
    %add3A_262 = vector.broadcast %add3A_261 : i32 to vector<2x1000xi32>
    %add3A_263 = arith.addi %xor3A_258, %add3A_262 : vector<2x1000xi32>
    %add3A_264 = arith.constant 5 : i32
    %add3A_265 = vector.broadcast %add3A_264 : i32 to vector<2x1000xi32>
    %add3A_266 = arith.addi %add3A_263, %add3A_265 : vector<2x1000xi32>
    %xor3A_267 = arith.xori %add3A_260, %add3A_266 : vector<2x1000xi32>
    %shift_right_logical3A_268 = arith.constant 9 : i32
    %shift_right_logical3A_269 = vector.broadcast %shift_right_logical3A_268 : i32 to vector<2x1000xi32>
    %shift_right_logical3A_270 = arith.shrui %xor3A_267, %shift_right_logical3A_269 : vector<2x1000xi32>
    %or3A_271 = arith.constant 1065353216 : i32
    %or3A_272 = vector.broadcast %or3A_271 : i32 to vector<2x1000xi32>
    %or3A_273 = arith.ori %shift_right_logical3A_270, %or3A_272 : vector<2x1000xi32>
    %bitcast_convert_type3A = tpu.bitcast %or3A_273 : vector<2x1000xi32> -> vector<2x1000xf32>
    %sub3A = arith.constant 1.000000e+00 : f32
    %sub3A_274 = vector.broadcast %sub3A : f32 to vector<2x1000xf32>
    %sub3A_275 = arith.subf %bitcast_convert_type3A, %sub3A_274 : vector<2x1000xf32>
    %sub3A_276 = arith.constant 1.000000e+00 : f32
    %sub3A_277 = arith.constant 1.000000e-10 : f32
    %sub3A_278 = arith.subf %sub3A_276, %sub3A_277 : f32
    %mul3A_279 = vector.broadcast %sub3A_278 : f32 to vector<2x1000xf32>
    %mul3A_280 = arith.mulf %sub3A_275, %mul3A_279 : vector<2x1000xf32>
    %add3A_281 = arith.constant 1.000000e-10 : f32
    %add3A_282 = vector.broadcast %add3A_281 : f32 to vector<2x1000xf32>
    %add3A_283 = arith.addf %mul3A_280, %add3A_282 : vector<2x1000xf32>
    %max3A_284 = arith.constant 1.000000e-10 : f32
    %max3A_285 = vector.broadcast %max3A_284 : f32 to vector<2x1000xf32>
    %max3A_286 = arith.maximumf %max3A_285, %add3A_283 : vector<2x1000xf32>
    %slice3A = vector.extract_strided_slice %max3A_286 {offsets = [0, 0], sizes = [1, 1000], strides = [1, 1]} : vector<2x1000xf32> to vector<1x1000xf32>
    %slice3A_287 = vector.extract_strided_slice %max3A_286 {offsets = [1, 0], sizes = [1, 1000], strides = [1, 1]} : vector<2x1000xf32> to vector<1x1000xf32>
    %log3A = math.log %slice3A_287 : vector<1x1000xf32>
    %log3A_288 = math.log %slice3A : vector<1x1000xf32>
    %div3A = arith.divf %log3A, %log3A_288 : vector<1x1000xf32>
    %add3A_289 = arith.constant 1.000000e-10 : f32
    %add3A_290 = vector.broadcast %add3A_289 : f32 to vector<1x1000xf32>
    %add3A_291 = arith.addf %div3A, %add3A_290 : vector<1x1000xf32>
    %log3A_292 = math.log %add3A_291 : vector<1x1000xf32>
    %neg3A = arith.constant 0.000000e+00 : f32
    %neg3A_293 = vector.broadcast %neg3A : f32 to vector<1x1000xf32>
    %neg3A_294 = arith.subf %neg3A_293, %log3A_292 : vector<1x1000xf32>
    %add3A_295 = arith.addf %add3A_36, %neg3A_294 : vector<1x1000xf32>
    %neg3A_296 = arith.constant 0.000000e+00 : f32
    %neg3A_297 = vector.broadcast %neg3A_296 : f32 to vector<1x1000xf32>
    %neg3A_298 = arith.subf %neg3A_297, %add3A_295 : vector<1x1000xf32>
    %exp3A = math.exp %neg3A_298 : vector<1x1000xf32>
    %add3A_299 = arith.constant 1.000000e+00 : f32
    %add3A_300 = vector.broadcast %add3A_299 : f32 to vector<1x1000xf32>
    %add3A_301 = arith.addf %add3A_300, %exp3A : vector<1x1000xf32>
    %div3A_302 = arith.constant 1.000000e+00 : f32
    %div3A_303 = vector.broadcast %div3A_302 : f32 to vector<1x1000xf32>
    %div3A_304 = arith.divf %div3A_303, %add3A_301 : vector<1x1000xf32>
    %squeeze3A = vector.shape_cast %div3A_304 : vector<1x1000xf32> to vector<1000xf32>
    %swap3A = arith.constant 0 : index
    %swap3A_305 = vector.load %arg7[%swap3A] : memref<1024xf32, #tpu.memory_space<vmem>>, vector<1000xf32>
    tpu.vector_store %arg7[%swap3A], %squeeze3A {strides = array<i32>} : memref<1024xf32, #tpu.memory_space<vmem>>, vector<1000xf32>,
    %broadcast_in_dim3A_306 = arith.constant 0.000000e+00 : f32
    %broadcast_in_dim3A_307 = vector.broadcast %broadcast_in_dim3A_306 : f32 to vector<24xf32>
    %swap3A_308 = arith.constant 1000 : index
    %swap3A_309 = vector.load %arg7[%swap3A_308] : memref<1024xf32, #tpu.memory_space<vmem>>, vector<24xf32>
    tpu.vector_store %arg7[%swap3A_308], %broadcast_in_dim3A_307 {strides = array<i32>} : memref<1024xf32, #tpu.memory_space<vmem>>, vector<24xf32>,
    return
  }
}

</mosaic_0001>

<sc_bundles>
// kernel: kernel.4.cloned.1.call-start
scs
__scs_entry_jumppad:
0x0: {  	(pc) =	sbr.rel $0x88, $3  }
0x1: {  	(tag) =	ssettag $0x0;
	lr =	simm.s32 $0x1  }
0x2: {  	[smem:$0x3F99] =	sst lr;
	_ =	strace $0xD0000000  }
0x3: {  	_ = 	snop  }
0x4: {  	_ = 	snop  }
0x5: {  	_ = 	snop  }
0x6: {  	_ = 	snop  }
0x7: {  	_ = 	snop  }
__scs_overlays_trampoline_lowered:
0x8: {  	[smem:$0x3FA8] =	sst s0  }
0x9: {  	[smem:$0x3FA9] =	sst s1  }
0xa: {  	[smem:$0x3FAA] =	sst s2  }
0xb: {  	[smem:$0x3FAB] =	sst s3  }
0xc: {  	[smem:$0x3FAC] =	sst s4  }
0xd: {  	[smem:$0x3FAD] =	sst s5  }
0xe: {  	[smem:$0x3FAE] =	sst s6  }
0xf: {  	[smem:$0x3FAF] =	sst s7  }
0x10: {  	[smem:$0x3FB0] =	sst s8  }
0x11: {  	[smem:$0x3FB1] =	sst s9;
	s0 =	simm.s32 @!p0 $0x0  }
0x12: {  	s1 =	sld [smem:$0x3F97];
	s0 =	simm.s32 @p0 $0x1  }
0x13: {  	[smem:$0x3FB2] =	sst s0;
	s0 =	simm.s32 @!p1 $0x0  }
0x14: {  	s2 =	sld [smem:$0x3F96];
	s0 =	simm.s32 @p1 $0x1  }
0x15: {  	[smem:$0x3FB3] =	sst s0;
	s0 =	simm.s32 @!p2 $0x0  }
0x16: {  	s3 =	sld [smem:$0x3FDB];
	s0 =	simm.s32 @p2 $0x1  }
0x17: {  	s4 =	simm.s32 $0x1BF5;
	[smem:$0x3FB5] =	sst s0  }
0x18: {  	s0 =	sld [smem:$0x3F98];
	_ =	swait.ge [sflag:s4], $0x0  }
0x19: {  	s7 =	sld [smem:$0x3F99]  }
0x1a: {  	s8 =	sadd.s32 $0xFFFFE003, lr  }
0x1b: {  	s9 =	sadd.s32 $0xFFFFFEF7, lr;
	s5 =	simm.s32 $0xFFFFFFFF;
	p2 =	slt.u32 s8, $0xFFFFF086  }
0x1c: {  	p1 =	slt.u32 s9, $0xF7A;
	s5 =	simm.s32 @!p2 $0x0  }
0x1d: {  	s5 =	simm.s32 @p1 $0x1;
	p0 =	seq.s32 s7, s2  }
0x1e: {  	s7 =	smul.u32 @!p0 $0xF7A, s2;
	p2 =	seq.s32 @!p0 s5, $0x0  }
0x1f: {  	s9 =	smul.u32 $0xF7A, s1;
	s8 =	simm.s32 @!p0 $0x1BF5;
	p2 =	por !p2, p0  }
0x20: {  	[sflag:s8] =	ssyncset.s32 @!p0 $0xFFFFF086;
	s6 =	sadd.s32 @!p0 s3, s7;
	s7 =	simm.s32 @!p0 $0x108  }
0x21: {  	s3 =	sadd.s32 s3, s9;
	s6 =	sadd.s32 @!p0 $0x88, s6;
	s7 =	simm.s32 @p2 $0x1082  }
0x22: {  	[simem:s7], [sflag:s8] =	dma.local @!p0 [hbm:s6], $0xF7A  }
0x23: {  	s9 =	sor.u32 $0xD0000000, s2;
	s6 =	simm.s32 $0x108;
	_ =	swait.ge @!p0 [sflag:s8], $0x0  }
0x24: {  	s3 =	sadd.s32 $0x88, s3;
	s6 =	simm.s32 @!p1 $0x1082;
	[sflag:s4] =	ssyncset.s32 $0xFFFFF086  }
0x25: {  	[simem:s6], [sflag:s4] =	dma.local [hbm:s3], $0xF7A  }
0x26: {  	[smem:$0x3F99] =	sst s1;
	(tag) =	ssettag s2;
	_ =	strace s9  }
0x27: {  	s1 =	sld [smem:$0x3FA9]  }
0x28: {  	s2 =	sld [smem:$0x3FAA]  }
0x29: {  	s4 =	sld [smem:$0x3FAC]  }
0x2a: {  	p0 =	seq.s32 s5, $0x0;
	s5 =	sld [smem:$0x3FAD]  }
0x2b: {  	s6 =	sld [smem:$0x3FAE]  }
0x2c: {  	s7 =	sld [smem:$0x3FAF]  }
0x2d: {  	s3 =	simm.s32 $0x108;
	s8 =	sld [smem:$0x3FB0]  }
0x2e: {  	s3 =	simm.s32 @!p0 $0x1082;
	s9 =	sld [smem:$0x3FB1]  }
0x2f: {  	lr =	sadd.s32 s0, s3;
	s0 =	sld [smem:$0x3FA8]  }
0x30: {  	s3 =	sld [smem:$0x3FAB]  }
0x31: {  	[smem:$0x3FB4] =	sst s10  }
0x32: {  	s10 =	sld [smem:$0x3FB2];
	_ =	sdelay $0x3  }
0x33: {  	p0 =	seq.s32 s10, $0x1;
	s10 =	sld [smem:$0x3FB4];
	_ =	sdelay $0x3  }
0x34: {  	[smem:$0x3FB4] =	sst s10  }
0x35: {  	s10 =	sld [smem:$0x3FB3];
	_ =	sdelay $0x3  }
0x36: {  	p1 =	seq.s32 s10, $0x1;
	s10 =	sld [smem:$0x3FB4];
	_ =	sdelay $0x3  }
0x37: {  	[smem:$0x3FB4] =	sst s10  }
0x38: {  	s10 =	sld [smem:$0x3FB5]  }
0x39: {  	_ = 	snop;
	(pc) =	sbr.ind lr, $3  }
0x3a: {  	_ = 	snop  }
0x3b: {  	_ = 	snop  }
0x3c: {  	p2 =	seq.s32 s10, $0x1;
	s10 =	sld [smem:$0x3FB4]  }
0x3d: {  	_ =	shalt  }
0x3e: {  	_ =	shalt  }
0x3f: {  	_ =	shalt  }
0x40: {  	_ =	shalt  }
0x41: {  	_ =	shalt  }
0x42: {  	_ =	shalt  }
0x43: {  	_ =	shalt  }
0x44: {  	_ =	shalt  }
0x45: {  	_ =	shalt  }
0x46: {  	_ =	shalt  }
0x47: {  	_ =	shalt  }
0x48: {  	_ =	shalt  }
0x49: {  	_ =	shalt  }
0x4a: {  	_ =	shalt  }
0x4b: {  	_ =	shalt  }
0x4c: {  	_ =	shalt  }
0x4d: {  	_ =	shalt  }
0x4e: {  	_ =	shalt  }
0x4f: {  	_ =	shalt  }
0x50: {  	_ =	shalt  }
0x51: {  	_ =	shalt  }
0x52: {  	_ =	shalt  }
0x53: {  	_ =	shalt  }
0x54: {  	_ =	shalt  }
0x55: {  	_ =	shalt  }
0x56: {  	_ =	shalt  }
0x57: {  	_ =	shalt  }
0x58: {  	_ =	shalt  }
0x59: {  	_ =	shalt  }
0x5a: {  	_ =	shalt  }
0x5b: {  	_ =	shalt  }
0x5c: {  	_ =	shalt  }
0x5d: {  	_ =	shalt  }
0x5e: {  	_ =	shalt  }
0x5f: {  	_ =	shalt  }
0x60: {  	_ =	shalt  }
0x61: {  	_ =	shalt  }
0x62: {  	_ =	shalt  }
0x63: {  	_ =	shalt  }
0x64: {  	_ =	shalt  }
0x65: {  	_ =	shalt  }
0x66: {  	_ =	shalt  }
0x67: {  	_ =	shalt  }
0x68: {  	_ =	shalt  }
0x69: {  	_ =	shalt  }
0x6a: {  	_ =	shalt  }
0x6b: {  	_ =	shalt  }
0x6c: {  	_ =	shalt  }
0x6d: {  	_ =	shalt  }
0x6e: {  	_ =	shalt  }
0x6f: {  	_ =	shalt  }
0x70: {  	_ =	shalt  }
0x71: {  	_ =	shalt  }
0x72: {  	_ =	shalt  }
0x73: {  	_ =	shalt  }
0x74: {  	_ =	shalt  }
0x75: {  	_ =	shalt  }
0x76: {  	_ =	shalt  }
0x77: {  	_ =	shalt  }
0x78: {  	_ =	shalt  }
0x79: {  	_ =	shalt  }
0x7a: {  	_ =	shalt  }
0x7b: {  	_ =	shalt  }
0x7c: {  	_ =	shalt  }
0x7d: {  	_ =	shalt  }
0x7e: {  	_ =	shalt  }
0x7f: {  	_ =	shalt  }
0x80: {  	_ =	shalt  }
0x81: {  	_ =	shalt  }
0x82: {  	_ =	shalt  }
0x83: {  	_ =	shalt  }
0x84: {  	_ =	shalt  }
0x85: {  	_ =	shalt  }
0x86: {  	_ =	shalt  }
0x87: {  	_ =	shalt  }
.Lfunc_end0:
.L_simem_size_0:
called_computation_lowered:
.L_overlay_start_0:
0x88: {  	s2 =	sld [smem:$0x3FD9]  }
0x89: {  	s3 =	sld [smem:$0x3FFE];
	_ =	sdelay $0x1  }
0x8a: {  	s1 =	srdreg.scid  }
0x8b: {  	s0 =	sand.u32 $0x1, s1  }
0x8c: {  	s17 =	sshll.u32 s0, $0xA;
	s2 =	sadd.s32 s3, s2  }
0x8d: {  	s2 =	sadd.s32 s2, s17  }
0x8e: {  	[smem:$0x3FC0] =	sst s2  }
0x8f: {  	_ = 	snop  }
0x90: {  	s2 =	sld [smem:$0x3FC9]  }
0x91: {  	s18 =	sld [smem:$0x3FD0];
	(tm) =	ssettm $0x1  }
0x92: {  	s4 =	sld [smem:$0x3FFB];
	_ =	sdelay $0x3  }
0x93: {  	_ =	strace s4  }
0x94: {  	s4 =	sld [smem:$0x3FFC];
	_ =	sdelay $0x3  }
0x95: {  	_ =	strace s4  }
0x96: {  	s4 =	sld [smem:$0x3FFD];
	_ =	sdelay $0x3  }
0x97: {  	_ =	strace s4  }
0x98: {  	_ =	strace $0x8FFFFFFF  }
0x99: {  	s19 =	sld [smem:$0x3FDB];
	_ =	sdelay $0x1  }
0x9a: {  	s5 =	simm.s32 $_scs_section_size  }
0x9b: {  	s6 =	simm.s32 $_size__tile_overlayer_lowered;
	s7 =	simm.s32 $_tile_overlayer_lowered  }
0x9c: {  	s22 =	simm.s32 $0x1BFF;
	s21 =	sshll.u32 s7, $0x1;
	s4 =	sadd.s32 s5, s19  }
0x9d: {  	s8 =	simm.s32 $0x0;
	s20 =	sshll.u32 s6, $0x1;
	s6 =	sadd.s32 s21, s4  }
0x9e: {  	[timem:s8], [sflag:s22] =	dma.local [hbm:s6], s20  }
0x9f: {  	_ =	swait.ge [sflag:s22], s20  }
0xa0: {  	s5 =	ssub.s32 $0x0, s20;
	[sflag:s22] =	ssyncset.done $0x0  }
0xa1: {  	[sflag:s22] =	ssyncadd.s32 s5;
	_ =	sdelay $0x1  }
0xa2: {  	s23 =	simm.s32 $0x1B8B  }
0xa3: {  	_ =	swait.ge [sflag:s23], $0x1  }
0xa4: {  	[sflag:s23] =	ssyncset.done $0x0  }
0xa5: {  	s25 =	simm.s32 $0x1B8E;
	s24 =	sld [smem:$0x3FFE];
	[sflag:s23] =	ssyncadd.s32 $0xFFFFFFFF  }
0xa6: {  	s26 =	simm.s32 $execute0_lowered;
	[smem:$0x3FD2] =	sst s25  }
0xa7: {  	s6 =	sshll.u32 s26, $0x1;
	_ =	strace $0x80000046;
	[dreg:$0x1] =	wrdreg $0xFFFFFFFF  }
0xa8: {  	s28 =	simm.s32 $_size_execute0_lowered;
	s4 =	sadd.s32 s4, s6;
	[dreg:$0x0] =	wrdreg $0x0  }
0xa9: {  	s6 =	sshll.u32 s28, $0x1;
	[dreg:$0x2] =	wrdreg s4  }
0xaa: {  	[dreg:$0x3] =	wrdreg s6  }
0xab: {  	[dreg:$0x4] =	wrdreg $0xC0  }
0xac: {  	_ =	task [dreg:s8], $0x5FFFF  }
0xad: {  	[dreg:$0x1] =	wrdreg $0xFFFFFFFF  }
0xae: {  	[dreg:$0x0] =	wrdreg $0x60  }
0xaf: {  	[dreg:$0x2] =	wrdreg s24  }
0xb0: {  	[dreg:$0x3] =	wrdreg s2  }
0xb1: {  	[dreg:$0x4] =	wrdreg s18  }
0xb2: {  	[dreg:$0x5] =	wrdreg $0x0  }
0xb3: {  	[dreg:$0x6] =	wrdreg $0x9  }
0xb4: {  	_ =	task.clear_ibuf [dreg:s8], $0x7FFFF;
	_ =	strace $0x90000046  }
0xb5: {  	s29 =	simm.s32 $0x9;
	_ =	strace $0x80000048  }
0xb6: {  	_ =	swait.ge [sflag:s29], $0x1  }
0xb7: {  	[sflag:s29] =	ssyncadd.s32 $0xFFFFFFFF  }
0xb8: {  	_ =	strace $0x90000048  }
0xb9: {  	_ =	sfence  }
0xba: {  	s30 =	sld [smem:$0x0];
	_ =	sdelay $0x2  }
0xbb: {  	s31 =	sshll.u32 s1, $0xD;
	s1 =	sshrl.u32 s1, $0x2  }
0xbc: {  	s3 =	sand.u32 $0x4000, s31;
	s1 =	sadd.s32 s1, s30  }
0xbd: {  	s0 =	sor.u32 s3, s0;
	s1 =	sshll.u32 s1, $0x11  }
0xbe: {  	s0 =	sor.u32 s1, s0  }
0xbf: {  	s0 =	sadd.s32 $0x8F2B, s0  }
0xc0: {  	[sflag:s0] =	ssyncadd.remote.s32 $0x1  }
0xc1: {  	_ =	sfence.sel $0xFFFF  }
0xc2: {  	[dreg:$0x0] =	wrdreg $0xFFFFFFFF;
	(pc) =	sbr.abs _section_cstart, $3  }
0xc3: {  	[dreg:$0x1] =	wrdreg $0xFFFFFFFF  }
0xc4: {  	_ =	task.clear_ibuf [dreg:s8], $0x2FFFF;
	_ =	strace $0x9FFFFFFF  }
0xc5: {  	(tm) =	ssettm $0x7FFFFFFF  }
tec
execute0_lowered:
.L_overlay_start_1:
0x0: {  	(tag) =	ssettag $0x1  }
0x1: {  	s3 =	rddreg [dreg:$0x0]  }
0x2: {  	s4 =	rddreg [dreg:$0x1]  }
0x3: {  	s19 =	rddreg [dreg:$0x2]  }
0x4: {  	s1 =	rddreg [dreg:$0x3]  }
0x5: {  	s0 =	rddreg [dreg:$0x4];
	s5 =	srdreg.scid  }
0x6: {  	s2 =	simm.s32 $0x0;
	s6 =	stileid.u32;
	s20 =	sand.u32 $0x1, s5  }
0x7: {  	[smem:$0x7FF] =	sst s2;
	s30 =	sshll.u32 s6, $0x7;
	s3 =	sadd.s32 $0x1200, s3  }
0x8: {  	p0 =	sne.s32 s6, $0x0;
	s5 =	simm.s32 $0x40;
	s7 =	sshll.u32 s20, $0x6  }
0x9: {  	_ =	strace $0x80000047;
	s6 =	sshrl.u32 @!p0 s1, $0x3;
	s21 =	sor.u32 s7, s30  }
0xa: {  	s8 =	simm.s32 @!p0 $0x3;
	s7 =	simm.s32 @!p0 $0x1C03;
	s4 =	sadd.s32 s4, s21  }
0xb: {  	[tilespmem:s5], [sflag:$0x2] =	stream.linear.gather [hbm4b:s4+s2], $0x200, $0x38;
	[tilespmem:$0x440] =	vst v63  }
0xc: {  	[spmem:s6], [sflag:s7] =	dma.local @!p0 [hbm:s3], $0x80  }
0xd: {  	_ =	swait.ge @!p0 [sflag:s8], $0x80  }
0xe: {  	[sflag:s8] =	ssyncset.done @!p0 $0x0  }
0xf: {  	[sflag:s8] =	ssyncadd.s32 @!p0 $0xFFFFFF80  }
0x10: {  	s9 =	simm.s32 $0x2;
	[bflag:$0x0] =	sbarrier.arrive $0xFFFF  }
0x11: {  	_ =	swait.ge [sflag:s9], $0x200  }
0x12: {  	[sflag:s9] =	ssyncset.done $0x0  }
0x13: {  	s10 =	simm.s32 $0x80;
	s11 =	simm.s32 $0x240;
	[sflag:s9] =	ssyncadd.s32 $0xFFFFFE00  }
0x14: {  	[tilespmem:s11], [sflag:$0x1] =	stream.indirect.gather [spmem:s1], $0x1, s5, s10, $0xb8;
	[tilespmem:$0x440] =	vst v63  }
0x15: {  	s12 =	simm.s32 $0xC0;
	s13 =	simm.s32 $0x2C0  }
0x16: {  	[tilespmem:s13], [sflag:$0x1] =	stream.indirect.gather [spmem:s1], $0x1, s12, s10, $0xb8;
	[tilespmem:$0x440] =	vst v63  }
0x17: {  	s14 =	simm.s32 $0x140;
	s15 =	simm.s32 $0x340  }
0x18: {  	[tilespmem:s15], [sflag:$0x1] =	stream.indirect.gather [spmem:s1], $0x1, s14, s10, $0xb8;
	[tilespmem:$0x440] =	vst v63  }
0x19: {  	s16 =	simm.s32 $0x1C0;
	s17 =	simm.s32 $0x3C0;
	s18 =	simm.s32 $0x1  }
0x1a: {  	[tilespmem:s17], [sflag:$0x1] =	stream.indirect.gather [spmem:s1], $0x1, s16, s10, $0xb8;
	[tilespmem:$0x440] =	vst v63  }
0x1b: {  	_ =	swait.ge [sflag:s18], $0x80  }
0x1c: {  	[sflag:s18] =	ssyncset.done $0x0  }
0x1d: {  	[sflag:s18] =	ssyncadd.s32 $0xFFFFFF80  }
0x1e: {  	_ =	swait.ge [sflag:s18], $0x80  }
0x1f: {  	s20 =	ssub.s32 $0x2, s20;
	[sflag:s18] =	ssyncset.done $0x0  }
0x20: {  	s22 =	sshrl.u32 s20, $0x1;
	[sflag:s18] =	ssyncadd.s32 $0xFFFFFF80  }
0x21: {  	s20 =	ssub.s32 s20, s22;
	_ =	swait.ge [sflag:s18], $0x80  }
0x22: {  	s31 =	smax.u32 s20, $0x1;
	[sflag:s18] =	ssyncset.done $0x0  }
0x23: {  	s19 =	sadd.s32 s19, s21;
	s21 =	sadd.s32 $0xFFFFFFFF, s31;
	[sflag:s18] =	ssyncadd.s32 $0xFFFFFF80  }
0x24: {  	p1 =	sne.s32 s21, $0x0;
	_ =	swait.ge [sflag:s18], $0x80  }
.Ltmp0:
0x25: {  	[sflag:s18] =	ssyncset.done $0x0;
	(pc) =	sbr.rel @!p1 .LBB2_2-.Ltmp0, $4  }
0x26: {  	s20 =	simm.s32 $0x3;
	[sflag:s18] =	ssyncadd.s32 $0xFFFFFF80  }
0x27: {  	[hbm4b:s19+s2] =	stream.linear.scatter [tilespmem:s11], [sflag:$0x3], $0x200, $0x38;
	[tilespmem:$0x440] =	vst v63  }
0x28: {  	_ =	swait.ge [sflag:s20], $0x200  }
0x29: {  	[sflag:s20] =	ssyncset.done $0x0  }
.LBB2_1:
0x2a: {  	[sflag:s20] =	ssyncadd.s32 $0xFFFFFE00  }
0x2b: {  	[tilespmem:s5], [sflag:$0x2] =	stream.linear.gather [hbm4b:s4+s2], $0x200, $0x38;
	[tilespmem:$0x440] =	vst v63  }
0x2c: {  	[spmem:s6], [sflag:s7] =	dma.local @!p0 [hbm:s3], $0x80  }
0x2d: {  	s21 =	sadd.s32 $0xFFFFFFFF, s21;
	_ =	swait.ge @!p0 [sflag:s8], $0x80  }
0x2e: {  	p1 =	sne.s32 s21, $0x0;
	[sflag:s8] =	ssyncset.done @!p0 $0x0  }
0x2f: {  	[sflag:s8] =	ssyncadd.s32 @!p0 $0xFFFFFF80  }
0x30: {  	[bflag:$0x0] =	sbarrier.arrive $0xFFFF  }
0x31: {  	_ =	swait.ge [sflag:s9], $0x200  }
0x32: {  	[sflag:s9] =	ssyncset.done $0x0  }
0x33: {  	[sflag:s9] =	ssyncadd.s32 $0xFFFFFE00  }
0x34: {  	[tilespmem:s11], [sflag:$0x1] =	stream.indirect.gather [spmem:s1], $0x1, s5, s10, $0xb8;
	[tilespmem:$0x440] =	vst v63  }
0x35: {  	_ = 	snop  }
0x36: {  	[tilespmem:s13], [sflag:$0x1] =	stream.indirect.gather [spmem:s1], $0x1, s12, s10, $0xb8;
	[tilespmem:$0x440] =	vst v63  }
0x37: {  	_ = 	snop  }
0x38: {  	[tilespmem:s15], [sflag:$0x1] =	stream.indirect.gather [spmem:s1], $0x1, s14, s10, $0xb8;
	[tilespmem:$0x440] =	vst v63  }
0x39: {  	_ = 	snop  }
0x3a: {  	[tilespmem:s17], [sflag:$0x1] =	stream.indirect.gather [spmem:s1], $0x1, s16, s10, $0xb8;
	[tilespmem:$0x440] =	vst v63  }
0x3b: {  	_ =	swait.ge [sflag:s18], $0x80  }
0x3c: {  	[sflag:s18] =	ssyncset.done $0x0  }
0x3d: {  	[sflag:s18] =	ssyncadd.s32 $0xFFFFFF80  }
0x3e: {  	_ =	swait.ge [sflag:s18], $0x80  }
0x3f: {  	[sflag:s18] =	ssyncset.done $0x0  }
0x40: {  	[sflag:s18] =	ssyncadd.s32 $0xFFFFFF80  }
0x41: {  	_ =	swait.ge [sflag:s18], $0x80  }
0x42: {  	[sflag:s18] =	ssyncset.done $0x0  }
0x43: {  	[sflag:s18] =	ssyncadd.s32 $0xFFFFFF80  }
0x44: {  	_ =	swait.ge [sflag:s18], $0x80  }
.Ltmp1:
0x45: {  	[sflag:s18] =	ssyncset.done $0x0;
	(pc) =	sbr.rel @p1 .LBB2_1-.Ltmp1, $4  }
0x46: {  	[sflag:s18] =	ssyncadd.s32 $0xFFFFFF80  }
0x47: {  	[hbm4b:s19+s2] =	stream.linear.scatter [tilespmem:s11], [sflag:$0x3], $0x200, $0x38;
	[tilespmem:$0x440] =	vst v63  }
0x48: {  	_ =	swait.ge [sflag:s20], $0x200  }
0x49: {  	[sflag:s20] =	ssyncset.done $0x0  }
.LBB2_2:
0x4a: {  	[sflag:s20] =	ssyncadd.s32 $0xFFFFFE00  }
0x4b: {  	_ =	sfence.sel $0x180000  }
0x4c: {  	[bflag:$0x0] =	sbarrier.arrive $0xFFFF  }
0x4d: {  	_ =	strace $0x90000047  }
0x4e: {  	s0 =	sadd.s32 @!p0 $0x100000, s0;
	[bflag:$0x2] =	sbarrier.arrive $0xFFFF  }
0x4f: {  	[sflag:s0] =	ssyncadd.tile.s32 @!p0 $0x1;
	_ =	shalt  }
.Lfunc_end2:
_tile_overlayer_lowered:
.L_overlay_start_2:
0x50: {  	(tag) =	ssettag $0x2  }
0x51: {  	s0 =	rddreg [dreg:$0x0];
	s2 =	stileid.u32  }
0x52: {  	s1 =	rddreg [dreg:$0x1];
	p0 =	sne.s32 s2, $0x0  }
0x53: {  	s3 =	rddreg [dreg:$0x2];
	[bflag:$0x3] =	sbarrier.arrive $0xFFFF;
	s2 =	simm.s32 @!p0 $0x1C03  }
0x54: {  	[timem:s3], [sflag:s2] =	dma.local @!p0 [hbm:s0], s1  }
0x55: {  	s0 =	simm.s32 @!p0 $0x3  }
0x56: {  	_ =	swait.ge @!p0 [sflag:s0], s1  }
0x57: {  	s1 =	ssub.s32 @!p0 $0x0, s1;
	[sflag:s0] =	ssyncset.done @!p0 $0x0  }
0x58: {  	[sflag:s0] =	ssyncadd.s32 @!p0 s1  }
0x59: {  	[bflag:$0x3] =	sbarrier.arrive $0xFFFF  }
0x5a: {  	_ =	shalt  }

</sc_bundles>
